<compile_context>
chip_gen: v7x
topology: tpu7x:2x2x1
jax: 0.10.2.dev20260603
libtpu: 0.0.44.dev20260713+nightly
codegen_flags: <defaults>
</compile_context>

<pallas_src>
import functools

import jax
import jax.numpy as jnp
from jax import lax
from jax.experimental import pallas as pl
from jax.experimental.pallas import tpu as pltpu
from jax.experimental.pallas import tpu_sc as plsc

_INFO = plsc.get_sparse_core_info()
_NC = _INFO.num_cores
_NS = _INFO.num_subcores
_NW = _NC * _NS
_L = _INFO.num_lanes


@functools.partial(jax.jit, static_argnames=("seq_len",))
def _sc_gather(table, positions, *, seq_len):
    n_rows, width = table.shape
    batch, per_batch = positions.shape
    total = batch * per_batch
    b_per_w = total // _NW
    w_per_batch = per_batch // b_per_w

    mesh = plsc.VectorSubcoreMesh(core_axis_name="c", subcore_axis_name="s")

    @functools.partial(
        pl.kernel,
        mesh=mesh,
        out_type=jax.ShapeDtypeStruct((total, width), table.dtype),
        scratch_types=[
            pltpu.VMEM((b_per_w,), jnp.int32),
            pltpu.VMEM((b_per_w, width), table.dtype),
            pltpu.SemaphoreType.DMA,
            pltpu.SemaphoreType.DMA,
        ],
    )
    def run(table_hbm, pos_hbm, out_hbm, idx_v, rows_v, sem, ssem):
        wid = lax.axis_index("s") * _NC + lax.axis_index("c")
        b = wid // w_per_batch
        col = (wid % w_per_batch) * b_per_w
        pltpu.sync_copy(pos_hbm.at[b, pl.ds(col, b_per_w)], idx_v)
        offset = b * seq_len
        for i in range(b_per_w // _L):
            sl = pl.ds(i * _L, _L)
            idx_v[sl] = idx_v[sl] + offset
        h = b_per_w // 2
        base = wid * b_per_w
        g0 = pltpu.async_copy(table_hbm.at[idx_v.at[pl.ds(0, h)]],
                              rows_v.at[pl.ds(0, h)], sem)
        g0.wait()
        s0 = pltpu.async_copy(rows_v.at[pl.ds(0, h)],
                              out_hbm.at[pl.ds(base, h)], ssem)
        g1 = pltpu.async_copy(table_hbm.at[idx_v.at[pl.ds(h, h)]],
                              rows_v.at[pl.ds(h, h)], sem)
        g1.wait()
        s1 = pltpu.async_copy(rows_v.at[pl.ds(h, h)],
                              out_hbm.at[pl.ds(base + h, h)], ssem)
        s0.wait()
        s1.wait()

    return run(table, positions)


def kernel(sequence_tensor, positions):
    batch, seq_len, width = sequence_tensor.shape
    table = sequence_tensor.reshape(batch * seq_len, width)
    return _sc_gather(table, positions.astype(jnp.int32), seq_len=seq_len)

# --- scband reference (transcript-rebuilt; emitter-appended) ---
"""Pipeline reference for scband-gather-indexes-67147518706011 (READ-ONLY COPY).

The authoritative reference and input builder live on the scoring server;
editing this copy changes nothing except your own understanding.
"""

import jax, jax.numpy as jnp
import numpy as np


def setup_inputs(seed: int = 0) -> dict:
    key = jax.random.key(seed)
    k1, k2 = jax.random.split(key)
    sequence_tensor = jax.random.normal(k1, (4, 4096, 1024), dtype=jnp.float32)
    positions = jax.random.randint(k2, (4, 512), 0, 4096, dtype=jnp.int64)
    return {"sequence_tensor": sequence_tensor, "positions": positions}


def reference(sequence_tensor, positions):
    batch_size, seq_length, width = sequence_tensor.shape
    flat_offsets = (jnp.arange(0, batch_size, dtype=positions.dtype) * seq_length).reshape(-1, 1)
    flat_positions = (positions + flat_offsets).reshape(-1)
    flat_sequence_tensor = sequence_tensor.reshape(batch_size * seq_length, width)
    output_tensor = jnp.take(flat_sequence_tensor, flat_positions.astype(jnp.int32), axis=0)
    return output_tensor

if __name__ == "__main__":
    import jax
    _d = setup_inputs()
    print(jax.jit(kernel)(*tuple(_d.values())))

</pallas_src>

<mosaic_0001>
#map = affine_map<(d0, d1) -> (0, 0)>
module attributes {stable_mosaic.version = 14 : i64} {
  func.func @run(%arg0: i32, %arg1: i32, %arg2: memref<16384x1024xf32, #tpu.memory_space<hbm>>, %arg3: memref<4x512xi32, #tpu.memory_space<hbm>>, %arg4: memref<2048x1024xf32, #tpu.memory_space<hbm>>, %arg5: memref<64xi32, #tpu.memory_space<vmem>>, %arg6: memref<64x1024xf32, #tpu.memory_space<vmem>>, %arg7: memref<!tpu.dma_semaphore, #tpu.memory_space<semaphore_mem>>, %arg8: memref<!tpu.dma_semaphore, #tpu.memory_space<semaphore_mem>>) attributes {dimension_semantics = [#tpu.dimension_semantics<core_parallel>, #tpu.dimension_semantics<subcore_parallel>], iteration_bounds = array<i64: 2, 16>, scalar_prefetch = 0 : i64, scratch_operands = 4 : i64, tpu.core_type = #tpu.core_type<sc_vector_subcore>, window_params = [{transform_indices = #map}, {transform_indices = #map}, {transform_indices = #map}]} {
    %mul3A = arith.constant 2 : i32
    %mul3A_0 = arith.muli %arg1, %mul3A : i32
    %add3A = arith.addi %mul3A_0, %arg0 : i32
    %jit3A = arith.constant 8 : i32
    %div3A = arith.divsi %add3A, %jit3A : i32
    %sign3A = arith.constant 0 : i32
    %sign3A_1 = arith.cmpi sgt, %add3A, %sign3A : i32
    %sign3A_2 = arith.extui %sign3A_1 : i1 to i32
    %sign3A_3 = arith.constant 0 : i32
    %sign3A_4 = arith.cmpi slt, %add3A, %sign3A_3 : i32
    %sign3A_5 = arith.extui %sign3A_4 : i1 to i32
    %sign3A_6 = arith.subi %sign3A_2, %sign3A_5 : i32
    %sign3A_7 = arith.constant 0 : i32
    %sign3A_8 = arith.cmpi sgt, %jit3A, %sign3A_7 : i32
    %sign3A_9 = arith.extui %sign3A_8 : i1 to i32
    %sign3A_10 = arith.constant 0 : i32
    %sign3A_11 = arith.cmpi slt, %jit3A, %sign3A_10 : i32
    %sign3A_12 = arith.extui %sign3A_11 : i1 to i32
    %sign3A_13 = arith.subi %sign3A_9, %sign3A_12 : i32
    %ne3A = arith.cmpi ne, %sign3A_6, %sign3A_13 : i32
    %rem3A = arith.remsi %add3A, %jit3A : i32
    %ne3A_14 = arith.constant 0 : i32
    %ne3A_15 = arith.cmpi ne, %rem3A, %ne3A_14 : i32
    %and3A = arith.andi %ne3A, %ne3A_15 : i1
    %sub3A = arith.constant 1 : i32
    %sub3A_16 = arith.subi %div3A, %sub3A : i32
    %select_n3A = arith.select %and3A, %sub3A_16, %div3A : i32
    %jit3A_17 = arith.constant 8 : i32
    %eq3A = arith.constant 0 : i32
    %eq3A_18 = arith.cmpi eq, %jit3A_17, %eq3A : i32
    %jit3A_19 = arith.constant 1 : i32
    %select_n3A_20 = arith.select %eq3A_18, %jit3A_19, %jit3A_17 : i32
    %rem3A_21 = arith.remsi %add3A, %select_n3A_20 : i32
    %ne3A_22 = arith.constant 0 : i32
    %ne3A_23 = arith.cmpi ne, %rem3A_21, %ne3A_22 : i32
    %lt3A = arith.constant 0 : i32
    %lt3A_24 = arith.cmpi slt, %rem3A_21, %lt3A : i32
    %lt3A_25 = arith.constant 0 : i32
    %lt3A_26 = arith.cmpi slt, %select_n3A_20, %lt3A_25 : i32
    %ne3A_27 = arith.xori %lt3A_24, %lt3A_26 : i1
    %and3A_28 = arith.andi %ne3A_27, %ne3A_23 : i1
    %add3A_29 = arith.addi %rem3A_21, %select_n3A_20 : i32
    %select_n3A_30 = arith.select %and3A_28, %add3A_29, %rem3A_21 : i32
    %mul3A_31 = arith.constant 64 : i32
    %mul3A_32 = arith.muli %select_n3A_30, %mul3A_31 : i32
    "tpu.region"() ({
      %run_scoped3A = tpu.sem_alloc : memref<!tpu.dma_semaphore, #tpu.memory_space<semaphore_mem>>
      %dma_start3A_143 = tpu.memref_slice %arg3[%select_n3A, %mul3A_32] : memref<4x512xi32, #tpu.memory_space<hbm>> -> memref<1x64xi32, #tpu.memory_space<hbm>>
      %dma_start3A_144 = tpu.memref_squeeze %dma_start3A_143 : memref<1x64xi32, #tpu.memory_space<hbm>> -> memref<64xi32, #tpu.memory_space<hbm>>
      %dma_start3A_145 = tpu.memref_slice %arg3[%select_n3A, %mul3A_32] : memref<4x512xi32, #tpu.memory_space<hbm>> -> memref<1x64xi32, #tpu.memory_space<hbm>>
      %dma_start3A_146 = tpu.memref_squeeze %dma_start3A_145 : memref<1x64xi32, #tpu.memory_space<hbm>> -> memref<64xi32, #tpu.memory_space<hbm>>
      tpu.enqueue_dma source(%dma_start3A_146 : memref<64xi32, #tpu.memory_space<hbm>>) target(%arg5 : memref<64xi32, #tpu.memory_space<vmem>>) target_semaphore(%run_scoped3A : memref<!tpu.dma_semaphore, #tpu.memory_space<semaphore_mem>>)
      %dma_wait3A_147 = tpu.memref_slice %arg3[%select_n3A, %mul3A_32] : memref<4x512xi32, #tpu.memory_space<hbm>> -> memref<1x64xi32, #tpu.memory_space<hbm>>
      %dma_wait3A_148 = tpu.memref_squeeze %dma_wait3A_147 : memref<1x64xi32, #tpu.memory_space<hbm>> -> memref<64xi32, #tpu.memory_space<hbm>>
      %dma_wait3A_149 = tpu.memref_slice %arg3[%select_n3A, %mul3A_32] : memref<4x512xi32, #tpu.memory_space<hbm>> -> memref<1x64xi32, #tpu.memory_space<hbm>>
      %dma_wait3A_150 = tpu.memref_squeeze %dma_wait3A_149 : memref<1x64xi32, #tpu.memory_space<hbm>> -> memref<64xi32, #tpu.memory_space<hbm>>
      tpu.wait_dma2 semaphore(%run_scoped3A : memref<!tpu.dma_semaphore, #tpu.memory_space<semaphore_mem>>) src(%dma_wait3A_150 : memref<64xi32, #tpu.memory_space<hbm>>) dst(%arg5 : memref<64xi32, #tpu.memory_space<vmem>>)
      tpu.yield
    }) : () -> ()
    %mul3A_33 = arith.constant 4096 : i32
    %mul3A_34 = arith.muli %select_n3A, %mul3A_33 : i32
    %get3A = arith.constant 0 : index
    %get3A_35 = tpu.vector_load %arg5[%get3A] {strides = array<i32>} : memref<64xi32, #tpu.memory_space<vmem>>, vector<16xi32>,
    %get3A_36 = vector.shape_cast %get3A_35 : vector<16xi32> to vector<16xi32>
    %add3A_37 = vector.broadcast %mul3A_34 : i32 to vector<16xi32>
    %add3A_38 = arith.addi %get3A_36, %add3A_37 : vector<16xi32>
    %swap3A = arith.constant 0 : index
    %swap3A_39 = tpu.vector_load %arg5[%swap3A] {strides = array<i32>} : memref<64xi32, #tpu.memory_space<vmem>>, vector<16xi32>,
    %swap3A_40 = vector.shape_cast %swap3A_39 : vector<16xi32> to vector<16xi32>
    %swap3A_41 = vector.shape_cast %add3A_38 : vector<16xi32> to vector<16xi32>
    tpu.vector_store %arg5[%swap3A], %swap3A_41 {strides = array<i32>} : memref<64xi32, #tpu.memory_space<vmem>>, vector<16xi32>,
    %get3A_42 = arith.constant 16 : index
    %get3A_43 = tpu.vector_load %arg5[%get3A_42] {strides = array<i32>} : memref<64xi32, #tpu.memory_space<vmem>>, vector<16xi32>,
    %get3A_44 = vector.shape_cast %get3A_43 : vector<16xi32> to vector<16xi32>
    %add3A_45 = vector.broadcast %mul3A_34 : i32 to vector<16xi32>
    %add3A_46 = arith.addi %get3A_44, %add3A_45 : vector<16xi32>
    %swap3A_47 = arith.constant 16 : index
    %swap3A_48 = tpu.vector_load %arg5[%swap3A_47] {strides = array<i32>} : memref<64xi32, #tpu.memory_space<vmem>>, vector<16xi32>,
    %swap3A_49 = vector.shape_cast %swap3A_48 : vector<16xi32> to vector<16xi32>
    %swap3A_50 = vector.shape_cast %add3A_46 : vector<16xi32> to vector<16xi32>
    tpu.vector_store %arg5[%swap3A_47], %swap3A_50 {strides = array<i32>} : memref<64xi32, #tpu.memory_space<vmem>>, vector<16xi32>,
    %get3A_51 = arith.constant 32 : index
    %get3A_52 = tpu.vector_load %arg5[%get3A_51] {strides = array<i32>} : memref<64xi32, #tpu.memory_space<vmem>>, vector<16xi32>,
    %get3A_53 = vector.shape_cast %get3A_52 : vector<16xi32> to vector<16xi32>
    %add3A_54 = vector.broadcast %mul3A_34 : i32 to vector<16xi32>
    %add3A_55 = arith.addi %get3A_53, %add3A_54 : vector<16xi32>
    %swap3A_56 = arith.constant 32 : index
    %swap3A_57 = tpu.vector_load %arg5[%swap3A_56] {strides = array<i32>} : memref<64xi32, #tpu.memory_space<vmem>>, vector<16xi32>,
    %swap3A_58 = vector.shape_cast %swap3A_57 : vector<16xi32> to vector<16xi32>
    %swap3A_59 = vector.shape_cast %add3A_55 : vector<16xi32> to vector<16xi32>
    tpu.vector_store %arg5[%swap3A_56], %swap3A_59 {strides = array<i32>} : memref<64xi32, #tpu.memory_space<vmem>>, vector<16xi32>,
    %get3A_60 = arith.constant 48 : index
    %get3A_61 = tpu.vector_load %arg5[%get3A_60] {strides = array<i32>} : memref<64xi32, #tpu.memory_space<vmem>>, vector<16xi32>,
    %get3A_62 = vector.shape_cast %get3A_61 : vector<16xi32> to vector<16xi32>
    %add3A_63 = vector.broadcast %mul3A_34 : i32 to vector<16xi32>
    %add3A_64 = arith.addi %get3A_62, %add3A_63 : vector<16xi32>
    %swap3A_65 = arith.constant 48 : index
    %swap3A_66 = tpu.vector_load %arg5[%swap3A_65] {strides = array<i32>} : memref<64xi32, #tpu.memory_space<vmem>>, vector<16xi32>,
    %swap3A_67 = vector.shape_cast %swap3A_66 : vector<16xi32> to vector<16xi32>
    %swap3A_68 = vector.shape_cast %add3A_64 : vector<16xi32> to vector<16xi32>
    tpu.vector_store %arg5[%swap3A_65], %swap3A_68 {strides = array<i32>} : memref<64xi32, #tpu.memory_space<vmem>>, vector<16xi32>,
    %mul3A_69 = arith.constant 64 : i32
    %mul3A_70 = arith.muli %add3A, %mul3A_69 : i32
    %dma_start3A = arith.constant 0 : i32
    %dma_start3A_71 = arith.constant 0 : i32
    %dma_start3A_72 = tpu.memref_slice %arg6[%dma_start3A, %dma_start3A_71] : memref<64x1024xf32, #tpu.memory_space<vmem>> -> memref<32x1024xf32, #tpu.memory_space<vmem>>
    %dma_start3A_73 = arith.constant 0 : i32
    %dma_start3A_74 = tpu.memref_slice %arg5[%dma_start3A_73] : memref<64xi32, #tpu.memory_space<vmem>> -> memref<32xi32, #tpu.memory_space<vmem>>
    %dma_start3A_75 = arith.constant 0 : i32
    %dma_start3A_76 = arith.constant 0 : i32
    %dma_start3A_77 = tpu.memref_slice %arg2[%dma_start3A_75, %dma_start3A_76] : memref<16384x1024xf32, #tpu.memory_space<hbm>> -> memref<16384x1024xf32, #tpu.memory_space<hbm>>
    tpu.enqueue_indirect_dma source(%dma_start3A_77 : memref<16384x1024xf32, #tpu.memory_space<hbm>>) target(%dma_start3A_72 : memref<32x1024xf32, #tpu.memory_space<vmem>>) offsets(%dma_start3A_74 : memref<32xi32, #tpu.memory_space<vmem>>) semaphore(%arg7 : memref<!tpu.dma_semaphore, #tpu.memory_space<semaphore_mem>>)
    %dma_wait3A = arith.constant 0 : i32
    %dma_wait3A_78 = arith.constant 0 : i32
    %dma_wait3A_79 = tpu.memref_slice %arg6[%dma_wait3A, %dma_wait3A_78] : memref<64x1024xf32, #tpu.memory_space<vmem>> -> memref<32x1024xf32, #tpu.memory_space<vmem>>
    %dma_wait3A_80 = arith.constant 0 : i32
    %dma_wait3A_81 = tpu.memref_slice %arg5[%dma_wait3A_80] : memref<64xi32, #tpu.memory_space<vmem>> -> memref<32xi32, #tpu.memory_space<vmem>>
    %dma_wait3A_82 = arith.constant 0 : i32
    %dma_wait3A_83 = arith.constant 0 : i32
    %dma_wait3A_84 = tpu.memref_slice %arg2[%dma_wait3A_82, %dma_wait3A_83] : memref<16384x1024xf32, #tpu.memory_space<hbm>> -> memref<16384x1024xf32, #tpu.memory_space<hbm>>
    tpu.wait_indirect_dma semaphore(%arg7 : memref<!tpu.dma_semaphore, #tpu.memory_space<semaphore_mem>>) src(%dma_wait3A_84 : memref<16384x1024xf32, #tpu.memory_space<hbm>>) dst(%dma_wait3A_79 : memref<32x1024xf32, #tpu.memory_space<vmem>>)
    %dma_start3A_85 = arith.constant 0 : i32
    %dma_start3A_86 = arith.constant 0 : i32
    %dma_start3A_87 = tpu.memref_slice %arg6[%dma_start3A_85, %dma_start3A_86] : memref<64x1024xf32, #tpu.memory_space<vmem>> -> memref<32x1024xf32, #tpu.memory_space<vmem>>
    %dma_start3A_88 = arith.constant 0 : i32
    %dma_start3A_89 = tpu.memref_slice %arg4[%mul3A_70, %dma_start3A_88] : memref<2048x1024xf32, #tpu.memory_space<hbm>> -> memref<32x1024xf32, #tpu.memory_space<hbm>>
    %dma_start3A_90 = arith.constant 0 : i32
    %dma_start3A_91 = tpu.memref_slice %arg4[%mul3A_70, %dma_start3A_90] : memref<2048x1024xf32, #tpu.memory_space<hbm>> -> memref<32x1024xf32, #tpu.memory_space<hbm>>
    %dma_start3A_92 = arith.constant 0 : i32
    %dma_start3A_93 = arith.constant 0 : i32
    %dma_start3A_94 = tpu.memref_slice %arg6[%dma_start3A_92, %dma_start3A_93] : memref<64x1024xf32, #tpu.memory_space<vmem>> -> memref<32x1024xf32, #tpu.memory_space<vmem>>
    tpu.enqueue_dma source(%dma_start3A_94 : memref<32x1024xf32, #tpu.memory_space<vmem>>) target(%dma_start3A_91 : memref<32x1024xf32, #tpu.memory_space<hbm>>) target_semaphore(%arg8 : memref<!tpu.dma_semaphore, #tpu.memory_space<semaphore_mem>>)
    %dma_start3A_95 = arith.constant 32 : i32
    %dma_start3A_96 = arith.constant 0 : i32
    %dma_start3A_97 = tpu.memref_slice %arg6[%dma_start3A_95, %dma_start3A_96] : memref<64x1024xf32, #tpu.memory_space<vmem>> -> memref<32x1024xf32, #tpu.memory_space<vmem>>
    %dma_start3A_98 = arith.constant 32 : i32
    %dma_start3A_99 = tpu.memref_slice %arg5[%dma_start3A_98] : memref<64xi32, #tpu.memory_space<vmem>> -> memref<32xi32, #tpu.memory_space<vmem>>
    %dma_start3A_100 = arith.constant 0 : i32
    %dma_start3A_101 = arith.constant 0 : i32
    %dma_start3A_102 = tpu.memref_slice %arg2[%dma_start3A_100, %dma_start3A_101] : memref<16384x1024xf32, #tpu.memory_space<hbm>> -> memref<16384x1024xf32, #tpu.memory_space<hbm>>
    tpu.enqueue_indirect_dma source(%dma_start3A_102 : memref<16384x1024xf32, #tpu.memory_space<hbm>>) target(%dma_start3A_97 : memref<32x1024xf32, #tpu.memory_space<vmem>>) offsets(%dma_start3A_99 : memref<32xi32, #tpu.memory_space<vmem>>) semaphore(%arg7 : memref<!tpu.dma_semaphore, #tpu.memory_space<semaphore_mem>>)
    %dma_wait3A_103 = arith.constant 32 : i32
    %dma_wait3A_104 = arith.constant 0 : i32
    %dma_wait3A_105 = tpu.memref_slice %arg6[%dma_wait3A_103, %dma_wait3A_104] : memref<64x1024xf32, #tpu.memory_space<vmem>> -> memref<32x1024xf32, #tpu.memory_space<vmem>>
    %dma_wait3A_106 = arith.constant 32 : i32
    %dma_wait3A_107 = tpu.memref_slice %arg5[%dma_wait3A_106] : memref<64xi32, #tpu.memory_space<vmem>> -> memref<32xi32, #tpu.memory_space<vmem>>
    %dma_wait3A_108 = arith.constant 0 : i32
    %dma_wait3A_109 = arith.constant 0 : i32
    %dma_wait3A_110 = tpu.memref_slice %arg2[%dma_wait3A_108, %dma_wait3A_109] : memref<16384x1024xf32, #tpu.memory_space<hbm>> -> memref<16384x1024xf32, #tpu.memory_space<hbm>>
    tpu.wait_indirect_dma semaphore(%arg7 : memref<!tpu.dma_semaphore, #tpu.memory_space<semaphore_mem>>) src(%dma_wait3A_110 : memref<16384x1024xf32, #tpu.memory_space<hbm>>) dst(%dma_wait3A_105 : memref<32x1024xf32, #tpu.memory_space<vmem>>)
    %add3A_111 = arith.constant 32 : i32
    %add3A_112 = arith.addi %mul3A_70, %add3A_111 : i32
    %dma_start3A_113 = arith.constant 32 : i32
    %dma_start3A_114 = arith.constant 0 : i32
    %dma_start3A_115 = tpu.memref_slice %arg6[%dma_start3A_113, %dma_start3A_114] : memref<64x1024xf32, #tpu.memory_space<vmem>> -> memref<32x1024xf32, #tpu.memory_space<vmem>>
    %dma_start3A_116 = arith.constant 0 : i32
    %dma_start3A_117 = tpu.memref_slice %arg4[%add3A_112, %dma_start3A_116] : memref<2048x1024xf32, #tpu.memory_space<hbm>> -> memref<32x1024xf32, #tpu.memory_space<hbm>>
    %dma_start3A_118 = arith.constant 0 : i32
    %dma_start3A_119 = tpu.memref_slice %arg4[%add3A_112, %dma_start3A_118] : memref<2048x1024xf32, #tpu.memory_space<hbm>> -> memref<32x1024xf32, #tpu.memory_space<hbm>>
    %dma_start3A_120 = arith.constant 32 : i32
    %dma_start3A_121 = arith.constant 0 : i32
    %dma_start3A_122 = tpu.memref_slice %arg6[%dma_start3A_120, %dma_start3A_121] : memref<64x1024xf32, #tpu.memory_space<vmem>> -> memref<32x1024xf32, #tpu.memory_space<vmem>>
    tpu.enqueue_dma source(%dma_start3A_122 : memref<32x1024xf32, #tpu.memory_space<vmem>>) target(%dma_start3A_119 : memref<32x1024xf32, #tpu.memory_space<hbm>>) target_semaphore(%arg8 : memref<!tpu.dma_semaphore, #tpu.memory_space<semaphore_mem>>)
    %dma_wait3A_123 = arith.constant 0 : i32
    %dma_wait3A_124 = arith.constant 0 : i32
    %dma_wait3A_125 = tpu.memref_slice %arg6[%dma_wait3A_123, %dma_wait3A_124] : memref<64x1024xf32, #tpu.memory_space<vmem>> -> memref<32x1024xf32, #tpu.memory_space<vmem>>
    %dma_wait3A_126 = arith.constant 0 : i32
    %dma_wait3A_127 = tpu.memref_slice %arg4[%mul3A_70, %dma_wait3A_126] : memref<2048x1024xf32, #tpu.memory_space<hbm>> -> memref<32x1024xf32, #tpu.memory_space<hbm>>
    %dma_wait3A_128 = arith.constant 0 : i32
    %dma_wait3A_129 = tpu.memref_slice %arg4[%mul3A_70, %dma_wait3A_128] : memref<2048x1024xf32, #tpu.memory_space<hbm>> -> memref<32x1024xf32, #tpu.memory_space<hbm>>
    %dma_wait3A_130 = arith.constant 0 : i32
    %dma_wait3A_131 = arith.constant 0 : i32
    %dma_wait3A_132 = tpu.memref_slice %arg6[%dma_wait3A_130, %dma_wait3A_131] : memref<64x1024xf32, #tpu.memory_space<vmem>> -> memref<32x1024xf32, #tpu.memory_space<vmem>>
    tpu.wait_dma2 semaphore(%arg8 : memref<!tpu.dma_semaphore, #tpu.memory_space<semaphore_mem>>) src(%dma_wait3A_132 : memref<32x1024xf32, #tpu.memory_space<vmem>>) dst(%dma_wait3A_129 : memref<32x1024xf32, #tpu.memory_space<hbm>>)
    %dma_wait3A_133 = arith.constant 32 : i32
    %dma_wait3A_134 = arith.constant 0 : i32
    %dma_wait3A_135 = tpu.memref_slice %arg6[%dma_wait3A_133, %dma_wait3A_134] : memref<64x1024xf32, #tpu.memory_space<vmem>> -> memref<32x1024xf32, #tpu.memory_space<vmem>>
    %dma_wait3A_136 = arith.constant 0 : i32
    %dma_wait3A_137 = tpu.memref_slice %arg4[%add3A_112, %dma_wait3A_136] : memref<2048x1024xf32, #tpu.memory_space<hbm>> -> memref<32x1024xf32, #tpu.memory_space<hbm>>
    %dma_wait3A_138 = arith.constant 0 : i32
    %dma_wait3A_139 = tpu.memref_slice %arg4[%add3A_112, %dma_wait3A_138] : memref<2048x1024xf32, #tpu.memory_space<hbm>> -> memref<32x1024xf32, #tpu.memory_space<hbm>>
    %dma_wait3A_140 = arith.constant 32 : i32
    %dma_wait3A_141 = arith.constant 0 : i32
    %dma_wait3A_142 = tpu.memref_slice %arg6[%dma_wait3A_140, %dma_wait3A_141] : memref<64x1024xf32, #tpu.memory_space<vmem>> -> memref<32x1024xf32, #tpu.memory_space<vmem>>
    tpu.wait_dma2 semaphore(%arg8 : memref<!tpu.dma_semaphore, #tpu.memory_space<semaphore_mem>>) src(%dma_wait3A_142 : memref<32x1024xf32, #tpu.memory_space<vmem>>) dst(%dma_wait3A_139 : memref<32x1024xf32, #tpu.memory_space<hbm>>)
    return
  }
}

</mosaic_0001>

<sc_bundles>
// kernel: _sc_gather.3.cloned.1.call-start
scs
__scs_entry_jumppad:
0x0: {  	(pc) =	sbr.rel $0x88, $3  }
0x1: {  	(tag) =	ssettag $0x0;
	lr =	simm.s32 $0x1  }
0x2: {  	[smem:$0x3F9F] =	sst lr;
	_ =	strace $0xD0000000  }
0x3: {  	_ = 	snop  }
0x4: {  	_ = 	snop  }
0x5: {  	_ = 	snop  }
0x6: {  	_ = 	snop  }
0x7: {  	_ = 	snop  }
__scs_overlays_trampoline_lowered:
0x8: {  	[smem:$0x3FAE] =	sst s0  }
0x9: {  	[smem:$0x3FAF] =	sst s1  }
0xa: {  	[smem:$0x3FB0] =	sst s2  }
0xb: {  	[smem:$0x3FB1] =	sst s3  }
0xc: {  	[smem:$0x3FB2] =	sst s4  }
0xd: {  	[smem:$0x3FB3] =	sst s5  }
0xe: {  	[smem:$0x3FB4] =	sst s6  }
0xf: {  	[smem:$0x3FB5] =	sst s7  }
0x10: {  	[smem:$0x3FB6] =	sst s8  }
0x11: {  	[smem:$0x3FB7] =	sst s9;
	s0 =	simm.s32 @!p0 $0x0  }
0x12: {  	s1 =	sld [smem:$0x3F9D];
	s0 =	simm.s32 @p0 $0x1  }
0x13: {  	[smem:$0x3FB8] =	sst s0;
	s0 =	simm.s32 @!p1 $0x0  }
0x14: {  	s2 =	sld [smem:$0x3F9C];
	s0 =	simm.s32 @p1 $0x1  }
0x15: {  	[smem:$0x3FB9] =	sst s0;
	s0 =	simm.s32 @!p2 $0x0  }
0x16: {  	s3 =	sld [smem:$0x3FDB];
	s0 =	simm.s32 @p2 $0x1  }
0x17: {  	s4 =	simm.s32 $0x1BF5;
	[smem:$0x3FBB] =	sst s0  }
0x18: {  	s0 =	sld [smem:$0x3F9E];
	_ =	swait.ge [sflag:s4], $0x0  }
0x19: {  	s7 =	sld [smem:$0x3F9F]  }
0x1a: {  	s8 =	sadd.s32 $0xFFFFE003, lr  }
0x1b: {  	s9 =	sadd.s32 $0xFFFFFEF7, lr;
	s5 =	simm.s32 $0xFFFFFFFF;
	p2 =	slt.u32 s8, $0xFFFFF086  }
0x1c: {  	p1 =	slt.u32 s9, $0xF7A;
	s5 =	simm.s32 @!p2 $0x0  }
0x1d: {  	s5 =	simm.s32 @p1 $0x1;
	p0 =	seq.s32 s7, s2  }
0x1e: {  	s7 =	smul.u32 @!p0 $0xF7A, s2;
	p2 =	seq.s32 @!p0 s5, $0x0  }
0x1f: {  	s9 =	smul.u32 $0xF7A, s1;
	s8 =	simm.s32 @!p0 $0x1BF5;
	p2 =	por !p2, p0  }
0x20: {  	[sflag:s8] =	ssyncset.s32 @!p0 $0xFFFFF086;
	s6 =	sadd.s32 @!p0 s3, s7;
	s7 =	simm.s32 @!p0 $0x108  }
0x21: {  	s3 =	sadd.s32 s3, s9;
	s6 =	sadd.s32 @!p0 $0x88, s6;
	s7 =	simm.s32 @p2 $0x1082  }
0x22: {  	[simem:s7], [sflag:s8] =	dma.local @!p0 [hbm:s6], $0xF7A  }
0x23: {  	s9 =	sor.u32 $0xD0000000, s2;
	s6 =	simm.s32 $0x108;
	_ =	swait.ge @!p0 [sflag:s8], $0x0  }
0x24: {  	s3 =	sadd.s32 $0x88, s3;
	s6 =	simm.s32 @!p1 $0x1082;
	[sflag:s4] =	ssyncset.s32 $0xFFFFF086  }
0x25: {  	[simem:s6], [sflag:s4] =	dma.local [hbm:s3], $0xF7A  }
0x26: {  	[smem:$0x3F9F] =	sst s1;
	(tag) =	ssettag s2;
	_ =	strace s9  }
0x27: {  	s1 =	sld [smem:$0x3FAF]  }
0x28: {  	s2 =	sld [smem:$0x3FB0]  }
0x29: {  	s4 =	sld [smem:$0x3FB2]  }
0x2a: {  	p0 =	seq.s32 s5, $0x0;
	s5 =	sld [smem:$0x3FB3]  }
0x2b: {  	s6 =	sld [smem:$0x3FB4]  }
0x2c: {  	s7 =	sld [smem:$0x3FB5]  }
0x2d: {  	s3 =	simm.s32 $0x108;
	s8 =	sld [smem:$0x3FB6]  }
0x2e: {  	s3 =	simm.s32 @!p0 $0x1082;
	s9 =	sld [smem:$0x3FB7]  }
0x2f: {  	lr =	sadd.s32 s0, s3;
	s0 =	sld [smem:$0x3FAE]  }
0x30: {  	s3 =	sld [smem:$0x3FB1]  }
0x31: {  	[smem:$0x3FBA] =	sst s10  }
0x32: {  	s10 =	sld [smem:$0x3FB8];
	_ =	sdelay $0x3  }
0x33: {  	p0 =	seq.s32 s10, $0x1;
	s10 =	sld [smem:$0x3FBA];
	_ =	sdelay $0x3  }
0x34: {  	[smem:$0x3FBA] =	sst s10  }
0x35: {  	s10 =	sld [smem:$0x3FB9];
	_ =	sdelay $0x3  }
0x36: {  	p1 =	seq.s32 s10, $0x1;
	s10 =	sld [smem:$0x3FBA];
	_ =	sdelay $0x3  }
0x37: {  	[smem:$0x3FBA] =	sst s10  }
0x38: {  	s10 =	sld [smem:$0x3FBB]  }
0x39: {  	_ = 	snop;
	(pc) =	sbr.ind lr, $3  }
0x3a: {  	_ = 	snop  }
0x3b: {  	_ = 	snop  }
0x3c: {  	p2 =	seq.s32 s10, $0x1;
	s10 =	sld [smem:$0x3FBA]  }
0x3d: {  	_ =	shalt  }
0x3e: {  	_ =	shalt  }
0x3f: {  	_ =	shalt  }
0x40: {  	_ =	shalt  }
0x41: {  	_ =	shalt  }
0x42: {  	_ =	shalt  }
0x43: {  	_ =	shalt  }
0x44: {  	_ =	shalt  }
0x45: {  	_ =	shalt  }
0x46: {  	_ =	shalt  }
0x47: {  	_ =	shalt  }
0x48: {  	_ =	shalt  }
0x49: {  	_ =	shalt  }
0x4a: {  	_ =	shalt  }
0x4b: {  	_ =	shalt  }
0x4c: {  	_ =	shalt  }
0x4d: {  	_ =	shalt  }
0x4e: {  	_ =	shalt  }
0x4f: {  	_ =	shalt  }
0x50: {  	_ =	shalt  }
0x51: {  	_ =	shalt  }
0x52: {  	_ =	shalt  }
0x53: {  	_ =	shalt  }
0x54: {  	_ =	shalt  }
0x55: {  	_ =	shalt  }
0x56: {  	_ =	shalt  }
0x57: {  	_ =	shalt  }
0x58: {  	_ =	shalt  }
0x59: {  	_ =	shalt  }
0x5a: {  	_ =	shalt  }
0x5b: {  	_ =	shalt  }
0x5c: {  	_ =	shalt  }
0x5d: {  	_ =	shalt  }
0x5e: {  	_ =	shalt  }
0x5f: {  	_ =	shalt  }
0x60: {  	_ =	shalt  }
0x61: {  	_ =	shalt  }
0x62: {  	_ =	shalt  }
0x63: {  	_ =	shalt  }
0x64: {  	_ =	shalt  }
0x65: {  	_ =	shalt  }
0x66: {  	_ =	shalt  }
0x67: {  	_ =	shalt  }
0x68: {  	_ =	shalt  }
0x69: {  	_ =	shalt  }
0x6a: {  	_ =	shalt  }
0x6b: {  	_ =	shalt  }
0x6c: {  	_ =	shalt  }
0x6d: {  	_ =	shalt  }
0x6e: {  	_ =	shalt  }
0x6f: {  	_ =	shalt  }
0x70: {  	_ =	shalt  }
0x71: {  	_ =	shalt  }
0x72: {  	_ =	shalt  }
0x73: {  	_ =	shalt  }
0x74: {  	_ =	shalt  }
0x75: {  	_ =	shalt  }
0x76: {  	_ =	shalt  }
0x77: {  	_ =	shalt  }
0x78: {  	_ =	shalt  }
0x79: {  	_ =	shalt  }
0x7a: {  	_ =	shalt  }
0x7b: {  	_ =	shalt  }
0x7c: {  	_ =	shalt  }
0x7d: {  	_ =	shalt  }
0x7e: {  	_ =	shalt  }
0x7f: {  	_ =	shalt  }
0x80: {  	_ =	shalt  }
0x81: {  	_ =	shalt  }
0x82: {  	_ =	shalt  }
0x83: {  	_ =	shalt  }
0x84: {  	_ =	shalt  }
0x85: {  	_ =	shalt  }
0x86: {  	_ =	shalt  }
0x87: {  	_ =	shalt  }
.Lfunc_end0:
.L_simem_size_0:
called_computation_lowered:
.L_overlay_start_0:
0x88: {  	s2 =	sld [smem:$0x3FD9]  }
0x89: {  	s3 =	sld [smem:$0x3FFE];
	_ =	sdelay $0x1  }
0x8a: {  	s1 =	srdreg.scid  }
0x8b: {  	s0 =	sand.u32 $0x1, s1  }
0x8c: {  	s18 =	sshll.u32 s0, $0xA;
	s2 =	sadd.s32 s3, s2  }
0x8d: {  	s2 =	sadd.s32 s2, s18  }
0x8e: {  	[smem:$0x3FC6] =	sst s2  }
0x8f: {  	_ = 	snop  }
0x90: {  	s2 =	sld [smem:$0x3FC9]  }
0x91: {  	s19 =	sld [smem:$0x3FC8]  }
0x92: {  	s4 =	sld [smem:$0x3FD0];
	(tm) =	ssettm $0x1  }
0x93: {  	s5 =	sld [smem:$0x3FFB];
	_ =	sdelay $0x3  }
0x94: {  	_ =	strace s5  }
0x95: {  	s5 =	sld [smem:$0x3FFC];
	_ =	sdelay $0x3  }
0x96: {  	_ =	strace s5  }
0x97: {  	s5 =	sld [smem:$0x3FFD];
	_ =	sdelay $0x3  }
0x98: {  	_ =	strace s5  }
0x99: {  	_ =	strace $0x8FFFFFFF  }
0x9a: {  	s20 =	sld [smem:$0x3FDB];
	_ =	sdelay $0x1  }
0x9b: {  	s6 =	simm.s32 $_scs_section_size  }
0x9c: {  	s7 =	simm.s32 $_size__tile_overlayer_lowered;
	s8 =	simm.s32 $_tile_overlayer_lowered  }
0x9d: {  	s23 =	simm.s32 $0x1BFF;
	s22 =	sshll.u32 s8, $0x1;
	s5 =	sadd.s32 s6, s20  }
0x9e: {  	s9 =	simm.s32 $0x0;
	s21 =	sshll.u32 s7, $0x1;
	s7 =	sadd.s32 s22, s5  }
0x9f: {  	[timem:s9], [sflag:s23] =	dma.local [hbm:s7], s21  }
0xa0: {  	_ =	swait.ge [sflag:s23], s21  }
0xa1: {  	s6 =	ssub.s32 $0x0, s21;
	[sflag:s23] =	ssyncset.done $0x0  }
0xa2: {  	[sflag:s23] =	ssyncadd.s32 s6;
	_ =	sdelay $0x1  }
0xa3: {  	s24 =	simm.s32 $0x1B8B  }
0xa4: {  	_ =	swait.ge [sflag:s24], $0x1  }
0xa5: {  	[sflag:s24] =	ssyncset.done $0x0  }
0xa6: {  	s25 =	simm.s32 $0x1B8E;
	[sflag:s24] =	ssyncadd.s32 $0xFFFFFFFF  }
0xa7: {  	s26 =	simm.s32 $execute0_lowered;
	[smem:$0x3FD2] =	sst s25  }
0xa8: {  	s6 =	sshll.u32 s26, $0x1;
	_ =	strace $0x80000046;
	[dreg:$0x1] =	wrdreg $0xFFFFFFFF  }
0xa9: {  	s28 =	simm.s32 $_size_execute0_lowered;
	s5 =	sadd.s32 s5, s6;
	[dreg:$0x0] =	wrdreg $0x0  }
0xaa: {  	s6 =	sshll.u32 s28, $0x1;
	[dreg:$0x2] =	wrdreg s5  }
0xab: {  	[dreg:$0x3] =	wrdreg s6  }
0xac: {  	[dreg:$0x4] =	wrdreg $0xC0  }
0xad: {  	_ =	task [dreg:s9], $0x5FFFF  }
0xae: {  	[dreg:$0x1] =	wrdreg $0xFFFFFFFF  }
0xaf: {  	[dreg:$0x0] =	wrdreg $0x60  }
0xb0: {  	[dreg:$0x2] =	wrdreg s2  }
0xb1: {  	[dreg:$0x3] =	wrdreg s19  }
0xb2: {  	[dreg:$0x4] =	wrdreg s4  }
0xb3: {  	[dreg:$0x5] =	wrdreg $0x9  }
0xb4: {  	_ =	task.clear_ibuf [dreg:s9], $0x6FFFF;
	_ =	strace $0x90000046  }
0xb5: {  	s29 =	simm.s32 $0x9;
	_ =	strace $0x80000048  }
0xb6: {  	_ =	swait.ge [sflag:s29], $0x1  }
0xb7: {  	[sflag:s29] =	ssyncadd.s32 $0xFFFFFFFF  }
0xb8: {  	_ =	strace $0x90000048  }
0xb9: {  	_ =	sfence  }
0xba: {  	s30 =	sld [smem:$0x0];
	_ =	sdelay $0x2  }
0xbb: {  	s31 =	sshll.u32 s1, $0xD;
	s1 =	sshrl.u32 s1, $0x2  }
0xbc: {  	s3 =	sand.u32 $0x4000, s31;
	s1 =	sadd.s32 s1, s30  }
0xbd: {  	s0 =	sor.u32 s3, s0;
	s1 =	sshll.u32 s1, $0x11  }
0xbe: {  	s0 =	sor.u32 s1, s0  }
0xbf: {  	s0 =	sadd.s32 $0x8F2B, s0  }
0xc0: {  	[sflag:s0] =	ssyncadd.remote.s32 $0x1  }
0xc1: {  	_ =	sfence.sel $0xFFFF  }
0xc2: {  	[dreg:$0x0] =	wrdreg $0xFFFFFFFF;
	(pc) =	sbr.abs _section_cstart, $3  }
0xc3: {  	[dreg:$0x1] =	wrdreg $0xFFFFFFFF  }
0xc4: {  	_ =	task.clear_ibuf [dreg:s9], $0x2FFFF;
	_ =	strace $0x9FFFFFFF  }
0xc5: {  	(tm) =	ssettm $0x7FFFFFFF  }
tec
execute0_lowered:
.L_overlay_start_1:
0x0: {  	(tag) =	ssettag $0x1  }
0x1: {  	s1 =	rddreg [dreg:$0x0]  }
0x2: {  	s0 =	rddreg [dreg:$0x1]  }
0x3: {  	s4 =	rddreg [dreg:$0x2]  }
0x4: {  	s3 =	simm.s32 $0x0;
	s5 =	srdreg.scid;
	s2 =	stileid.u32  }
0x5: {  	s12 =	simm.s32 $0x880;
	s13 =	simm.s32 $0x1080;
	s14 =	simm.s32 $0x1880  }
0x6: {  	s15 =	simm.s32 $0x2080;
	s16 =	simm.s32 $0x2880;
	[smem:$0x7FF] =	sst s3  }
0x7: {  	s18 =	simm.s32 $0x3080;
	_ =	strace $0x80000047;
	[dreg:$0x6] =	wrdreg s12  }
0x8: {  	s20 =	simm.s32 $0x3880;
	s21 =	simm.s32 $0x4080;
	[dreg:$0x7] =	wrdreg s13  }
0x9: {  	s22 =	simm.s32 $0x4880;
	s23 =	simm.s32 $0x5080;
	[dreg:$0x8] =	wrdreg s14  }
0xa: {  	s24 =	simm.s32 $0x5880;
	s25 =	simm.s32 $0x6080;
	[dreg:$0x9] =	wrdreg s15  }
0xb: {  	s28 =	simm.s32 $0xE080;
	s29 =	simm.s32 $0xE880;
	[dreg:$0xa] =	wrdreg s16  }
0xc: {  	s30 =	simm.s32 $0xF080;
	s31 =	simm.s32 $0xF880;
	[dreg:$0xb] =	wrdreg s18  }
0xd: {  	s5 =	sand.u32 $0x1, s5;
	s6 =	sshrl.u32 s2, $0x2;
	[dreg:$0xc] =	wrdreg s20  }
0xe: {  	s7 =	sshll.u32 s2, $0x6;
	s2 =	sshll.u32 s2, $0xE;
	[dreg:$0xd] =	wrdreg s21  }
0xf: {  	s8 =	sshll.u32 s6, $0x4;
	s9 =	sshll.u32 s5, $0x3;
	[dreg:$0xe] =	wrdreg s22  }
0x10: {  	s10 =	sshll.u32 s5, $0xD;
	s7 =	sand.u32 $0xC0, s7;
	[dreg:$0xf] =	wrdreg s23  }
0x11: {  	s5 =	ssub.s32 $0x2, s5;
	s26 =	sshll.u32 s6, $0xC;
	[dreg:$0x10] =	wrdreg s24  }
0x12: {  	s6 =	sadd.s32 $0x200, s1;
	[dreg:$0x11] =	wrdreg s25;
	s12 =	simm.s32 $0x7080  }
0x13: {  	s13 =	simm.s32 $0x7880;
	s14 =	simm.s32 $0x1;
	s15 =	simm.s32 $0x8080  }
0x14: {  	s16 =	simm.s32 $0x8880;
	s18 =	simm.s32 $0x9880;
	s20 =	simm.s32 $0xA880  }
0x15: {  	s21 =	simm.s32 $0xB080;
	s22 =	simm.s32 $0xB880;
	s23 =	simm.s32 $0xC080  }
0x16: {  	s24 =	simm.s32 $0xC880;
	s25 =	simm.s32 $0xD080;
	s0 =	sadd.s32 s0, s9  }
0x17: {  	s10 =	sor.u32 s10, s2;
	s17 =	sshrl.u32 s5, $0x1;
	s9 =	simm.s32 $0x3  }
0x18: {  	v0 =	vmov s26;
	s26 =	simm.s32 $0xD880;
	s0 =	sadd.s32 s8, s0;
	s4 =	sadd.s32 s4, s10  }
0x19: {  	s19 =	ssub.s32 s5, s17;
	s5 =	sadd.s32 $0x100, s1;
	s10 =	simm.s32 $0x80  }
0x1a: {  	v3 =	vlaneseq.u32;
	s17 =	simm.s32 $0x9080;
	s0 =	sadd.s32 s7, s0;
	s11 =	sadd.s32 $0x1000, s4  }
0x1b: {  	vm0 =	vmmov $0xffff;
	v2 =	vshrl.u32 v3, $0x3;
	s7 =	sadd.s32 $0x300, s1;
	s8 =	smax.u32 s19, $0x1;
	[dreg:$0x4] =	wrdreg s0  }
0x1c: {  	v1 =	vand.u32 $0x7, v3;
	v3 =	vor.u32 $0x8, v3;
	v2 =	vmul.u32 $0x8, v2;
	s19 =	simm.s32 $0xA080;
	[dreg:$0x5] =	wrdreg s11;
	s0 =	simm.s32 $0x2  }
.LBB2_1:
0x1d: {  	s2 =	rddreg [dreg:$0x4]  }
0x1e: {  	[tilespmem:s3], [sflag:$0x3] =	stream.linear.gather [hbm4b:s2+s3], $0x40, $0x38;
	[tilespmem:$0x10080] =	vst v63  }
0x1f: {  	_ =	swait.ge [sflag:s9], $0x40  }
0x20: {  	[sflag:s9] =	ssyncset.done $0x0  }
0x21: {  	[sflag:s9] =	ssyncadd.s32 $0xFFFFFFC0  }
0x22: {  	v4 =	vld [tilespmem:$0x0];
	_ =	sdelay $0x4  }
0x23: {  	v5 =	vadd.s32 v0, v4  }
0x24: {  	v6 =	vshll.u32 v5, $0x3  }
0x25: {  	v7 =	vld [tilespmem:$0x10];
	v4 =	vand.u32 $0x7, v4;
	v6 =	vand.u32 $0xFFFFFFC0, v6  }
0x26: {  	v8 =	vld [tilespmem:$0x20];
	v4 =	vor.u32 v4, v6  }
0x27: {  	v63 =	vld [tilespmem:$0x30];
	v9 =	vperm.xlane v4, v1;
	_ =	sdelay $0x1  }
0x28: {  	v9 =	vadd.s32 v2, v9  }
0x29: {  	[tilespmem:$0x0] =	vst v5;
	v5 =	vadd.s32 v0, v7  }
0x2a: {  	[tilespmem:$0x10] =	vst v5;
	v5 =	vadd.s32 v0, v8  }
0x2b: {  	[tilespmem:$0x20] =	vst v5;
	v5 =	vadd.s32 v0, v63  }
0x2c: {  	[tilespmem:$0x30] =	vst v5  }
0x2d: {  	[tilespmem:s10], [sflag:$0x1] =	stream.indirect_vreg.gather [hbm4b:s1+s3], $0x80, v9, vm0, $0xb8;
	[tilespmem:$0x10080] =	vst v63  }
0x2e: {  	s2 =	rddreg [dreg:$0x6];
	v4 =	vperm.xlane v4, v3  }
0x2f: {  	[tilespmem:s2], [sflag:$0x1] =	stream.indirect_vreg.gather [hbm4b:s5+s3], $0x80, v9, vm0, $0xb8;
	[tilespmem:$0x10080] =	vst v63  }
0x30: {  	s11 =	rddreg [dreg:$0x7];
	v4 =	vadd.s32 v2, v4  }
0x31: {  	[tilespmem:s11], [sflag:$0x1] =	stream.indirect_vreg.gather [hbm4b:s6+s3], $0x80, v9, vm0, $0xb8;
	[tilespmem:$0x10080] =	vst v63  }
0x32: {  	s2 =	rddreg [dreg:$0x8]  }
0x33: {  	[tilespmem:s2], [sflag:$0x1] =	stream.indirect_vreg.gather [hbm4b:s7+s3], $0x80, v9, vm0, $0xb8;
	[tilespmem:$0x10080] =	vst v63  }
0x34: {  	s11 =	rddreg [dreg:$0x9]  }
0x35: {  	[tilespmem:s11], [sflag:$0x1] =	stream.indirect_vreg.gather [hbm4b:s1+s3], $0x80, v4, vm0, $0xb8;
	[tilespmem:$0x10080] =	vst v63  }
0x36: {  	s2 =	rddreg [dreg:$0xa]  }
0x37: {  	[tilespmem:s2], [sflag:$0x1] =	stream.indirect_vreg.gather [hbm4b:s5+s3], $0x80, v4, vm0, $0xb8;
	[tilespmem:$0x10080] =	vst v63  }
0x38: {  	s11 =	rddreg [dreg:$0xb]  }
0x39: {  	[tilespmem:s11], [sflag:$0x1] =	stream.indirect_vreg.gather [hbm4b:s6+s3], $0x80, v4, vm0, $0xb8;
	[tilespmem:$0x10080] =	vst v63  }
0x3a: {  	s2 =	rddreg [dreg:$0xc]  }
0x3b: {  	[tilespmem:s2], [sflag:$0x1] =	stream.indirect_vreg.gather [hbm4b:s7+s3], $0x80, v4, vm0, $0xb8;
	[tilespmem:$0x10080] =	vst v63  }
0x3c: {  	v4 =	vld [tilespmem:$0x10];
	_ =	sdelay $0x4  }
0x3d: {  	v5 =	vshll.u32 v4, $0x3  }
0x3e: {  	v4 =	vand.u32 $0x7, v4;
	v5 =	vand.u32 $0xFFFFFFC0, v5  }
0x3f: {  	v4 =	vor.u32 v4, v5  }
0x40: {  	v5 =	vperm.xlane v4, v1;
	_ =	sdelay $0x1  }
0x41: {  	v5 =	vadd.s32 v2, v5;
	_ =	sdelay $0x3  }
0x42: {  	s2 =	rddreg [dreg:$0xd]  }
0x43: {  	[tilespmem:s2], [sflag:$0x1] =	stream.indirect_vreg.gather [hbm4b:s1+s3], $0x80, v5, vm0, $0xb8;
	[tilespmem:$0x10080] =	vst v63  }
0x44: {  	s11 =	rddreg [dreg:$0xe];
	v4 =	vperm.xlane v4, v3  }
0x45: {  	[tilespmem:s11], [sflag:$0x1] =	stream.indirect_vreg.gather [hbm4b:s5+s3], $0x80, v5, vm0, $0xb8;
	[tilespmem:$0x10080] =	vst v63  }
0x46: {  	v4 =	vadd.s32 v2, v4;
	s2 =	rddreg [dreg:$0xf]  }
0x47: {  	[tilespmem:s2], [sflag:$0x1] =	stream.indirect_vreg.gather [hbm4b:s6+s3], $0x80, v5, vm0, $0xb8;
	[tilespmem:$0x10080] =	vst v63  }
0x48: {  	s11 =	rddreg [dreg:$0x10]  }
0x49: {  	[tilespmem:s11], [sflag:$0x1] =	stream.indirect_vreg.gather [hbm4b:s7+s3], $0x80, v5, vm0, $0xb8;
	[tilespmem:$0x10080] =	vst v63  }
0x4a: {  	s2 =	rddreg [dreg:$0x11]  }
0x4b: {  	[tilespmem:s2], [sflag:$0x1] =	stream.indirect_vreg.gather [hbm4b:s1+s3], $0x80, v4, vm0, $0xb8;
	[tilespmem:$0x10080] =	vst v63  }
0x4c: {  	s11 =	simm.s32 $0x6880  }
0x4d: {  	[tilespmem:s11], [sflag:$0x1] =	stream.indirect_vreg.gather [hbm4b:s5+s3], $0x80, v4, vm0, $0xb8;
	[tilespmem:$0x10080] =	vst v63  }
0x4e: {  	_ = 	snop  }
0x4f: {  	[tilespmem:s12], [sflag:$0x1] =	stream.indirect_vreg.gather [hbm4b:s6+s3], $0x80, v4, vm0, $0xb8;
	[tilespmem:$0x10080] =	vst v63  }
0x50: {  	_ = 	snop  }
0x51: {  	[tilespmem:s13], [sflag:$0x1] =	stream.indirect_vreg.gather [hbm4b:s7+s3], $0x80, v4, vm0, $0xb8;
	[tilespmem:$0x10080] =	vst v63  }
0x52: {  	_ =	swait.ge [sflag:s14], $0x8000  }
0x53: {  	[sflag:s14] =	ssyncset.done $0x0  }
0x54: {  	[sflag:s14] =	ssyncadd.s32 $0xFFFF8000  }
0x55: {  	[hbm4b:s4+s3] =	stream.linear.scatter [tilespmem:s10], [sflag:$0x2], $0x8000, $0x38;
	[tilespmem:$0x10080] =	vst v63  }
0x56: {  	v4 =	vld [tilespmem:$0x20];
	_ =	sdelay $0x4  }
0x57: {  	v5 =	vshll.u32 v4, $0x3  }
0x58: {  	v4 =	vand.u32 $0x7, v4;
	v5 =	vand.u32 $0xFFFFFFC0, v5  }
0x59: {  	v4 =	vor.u32 v4, v5  }
0x5a: {  	v5 =	vperm.xlane v4, v1;
	_ =	sdelay $0x1  }
0x5b: {  	v5 =	vadd.s32 v2, v5;
	_ =	sdelay $0x4  }
0x5c: {  	[tilespmem:s15], [sflag:$0x1] =	stream.indirect_vreg.gather [hbm4b:s1+s3], $0x80, v5, vm0, $0xb8;
	[tilespmem:$0x10080] =	vst v63  }
0x5d: {  	v4 =	vperm.xlane v4, v3  }
0x5e: {  	[tilespmem:s16], [sflag:$0x1] =	stream.indirect_vreg.gather [hbm4b:s5+s3], $0x80, v5, vm0, $0xb8;
	[tilespmem:$0x10080] =	vst v63  }
0x5f: {  	v4 =	vadd.s32 v2, v4  }
0x60: {  	[tilespmem:s17], [sflag:$0x1] =	stream.indirect_vreg.gather [hbm4b:s6+s3], $0x80, v5, vm0, $0xb8;
	[tilespmem:$0x10080] =	vst v63  }
0x61: {  	_ = 	snop  }
0x62: {  	[tilespmem:s18], [sflag:$0x1] =	stream.indirect_vreg.gather [hbm4b:s7+s3], $0x80, v5, vm0, $0xb8;
	[tilespmem:$0x10080] =	vst v63  }
0x63: {  	_ = 	snop  }
0x64: {  	[tilespmem:s19], [sflag:$0x1] =	stream.indirect_vreg.gather [hbm4b:s1+s3], $0x80, v4, vm0, $0xb8;
	[tilespmem:$0x10080] =	vst v63  }
0x65: {  	_ = 	snop  }
0x66: {  	[tilespmem:s20], [sflag:$0x1] =	stream.indirect_vreg.gather [hbm4b:s5+s3], $0x80, v4, vm0, $0xb8;
	[tilespmem:$0x10080] =	vst v63  }
0x67: {  	_ = 	snop  }
0x68: {  	[tilespmem:s21], [sflag:$0x1] =	stream.indirect_vreg.gather [hbm4b:s6+s3], $0x80, v4, vm0, $0xb8;
	[tilespmem:$0x10080] =	vst v63  }
0x69: {  	_ = 	snop  }
0x6a: {  	[tilespmem:s22], [sflag:$0x1] =	stream.indirect_vreg.gather [hbm4b:s7+s3], $0x80, v4, vm0, $0xb8;
	[tilespmem:$0x10080] =	vst v63  }
0x6b: {  	v4 =	vld [tilespmem:$0x30];
	_ =	sdelay $0x4  }
0x6c: {  	v5 =	vshll.u32 v4, $0x3  }
0x6d: {  	v4 =	vand.u32 $0x7, v4;
	v5 =	vand.u32 $0xFFFFFFC0, v5  }
0x6e: {  	v4 =	vor.u32 v4, v5  }
0x6f: {  	v5 =	vperm.xlane v4, v1;
	_ =	sdelay $0x1  }
0x70: {  	v5 =	vadd.s32 v2, v5;
	_ =	sdelay $0x4  }
0x71: {  	[tilespmem:s23], [sflag:$0x1] =	stream.indirect_vreg.gather [hbm4b:s1+s3], $0x80, v5, vm0, $0xb8;
	[tilespmem:$0x10080] =	vst v63  }
0x72: {  	v4 =	vperm.xlane v4, v3  }
0x73: {  	[tilespmem:s24], [sflag:$0x1] =	stream.indirect_vreg.gather [hbm4b:s5+s3], $0x80, v5, vm0, $0xb8;
	[tilespmem:$0x10080] =	vst v63  }
0x74: {  	v4 =	vadd.s32 v2, v4  }
0x75: {  	[tilespmem:s25], [sflag:$0x1] =	stream.indirect_vreg.gather [hbm4b:s6+s3], $0x80, v5, vm0, $0xb8;
	[tilespmem:$0x10080] =	vst v63  }
0x76: {  	_ = 	snop  }
0x77: {  	[tilespmem:s26], [sflag:$0x1] =	stream.indirect_vreg.gather [hbm4b:s7+s3], $0x80, v5, vm0, $0xb8;
	[tilespmem:$0x10080] =	vst v63  }
0x78: {  	_ = 	snop  }
0x79: {  	[tilespmem:s28], [sflag:$0x1] =	stream.indirect_vreg.gather [hbm4b:s1+s3], $0x80, v4, vm0, $0xb8;
	[tilespmem:$0x10080] =	vst v63  }
0x7a: {  	_ = 	snop  }
0x7b: {  	[tilespmem:s29], [sflag:$0x1] =	stream.indirect_vreg.gather [hbm4b:s5+s3], $0x80, v4, vm0, $0xb8;
	[tilespmem:$0x10080] =	vst v63  }
0x7c: {  	_ = 	snop  }
0x7d: {  	[tilespmem:s30], [sflag:$0x1] =	stream.indirect_vreg.gather [hbm4b:s6+s3], $0x80, v4, vm0, $0xb8;
	[tilespmem:$0x10080] =	vst v63  }
0x7e: {  	_ = 	snop  }
0x7f: {  	[tilespmem:s31], [sflag:$0x1] =	stream.indirect_vreg.gather [hbm4b:s7+s3], $0x80, v4, vm0, $0xb8;
	[tilespmem:$0x10080] =	vst v63  }
0x80: {  	_ =	swait.ge [sflag:s14], $0x8000  }
0x81: {  	[sflag:s14] =	ssyncset.done $0x0  }
0x82: {  	s11 =	rddreg [dreg:$0x5];
	[sflag:s14] =	ssyncadd.s32 $0xFFFF8000  }
0x83: {  	[hbm4b:s11+s3] =	stream.linear.scatter [tilespmem:s15], [sflag:$0x2], $0x8000, $0x38;
	[tilespmem:$0x10080] =	vst v63  }
0x84: {  	p0 =	sne.s32 s8, $0x1;
	_ =	swait.ge [sflag:s0], $0x8000  }
.Ltmp0:
0x85: {  	[sflag:s0] =	ssyncset.done $0x0;
	(pc) =	sbr.rel @p0 .LBB2_1-.Ltmp0, $4  }
0x86: {  	[sflag:s0] =	ssyncadd.s32 $0xFFFF8000  }
0x87: {  	_ =	swait.ge [sflag:s0], $0x8000  }
0x88: {  	[sflag:s0] =	ssyncset.done $0x0  }
0x89: {  	s8 =	sadd.s32 $0xFFFFFFFF, s8;
	[sflag:s0] =	ssyncadd.s32 $0xFFFF8000  }
0x8a: {  	_ =	sfence.sel $0x180000  }
0x8b: {  	[bflag:$0x0] =	sbarrier.arrive $0xFFFF  }
0x8c: {  	_ =	strace $0x90000047  }
0x8d: {  	s0 =	stileid.u32;
	[bflag:$0x2] =	sbarrier.arrive $0xFFFF  }
0x8e: {  	p0 =	sne.s32 s0, $0x0;
	s0 =	rddreg [dreg:$0x3]  }
0x8f: {  	s0 =	sadd.s32 @!p0 $0x100000, s0  }
0x90: {  	[sflag:s0] =	ssyncadd.tile.s32 @!p0 $0x1;
	_ =	shalt  }
.Lfunc_end2:
_tile_overlayer_lowered:
.L_overlay_start_2:
0x91: {  	(tag) =	ssettag $0x2  }
0x92: {  	s0 =	rddreg [dreg:$0x0];
	s2 =	stileid.u32  }
0x93: {  	s1 =	rddreg [dreg:$0x1];
	p0 =	sne.s32 s2, $0x0  }
0x94: {  	s3 =	rddreg [dreg:$0x2];
	[bflag:$0x3] =	sbarrier.arrive $0xFFFF;
	s2 =	simm.s32 @!p0 $0x1C03  }
0x95: {  	[timem:s3], [sflag:s2] =	dma.local @!p0 [hbm:s0], s1  }
0x96: {  	s0 =	simm.s32 @!p0 $0x3  }
0x97: {  	_ =	swait.ge @!p0 [sflag:s0], s1  }
0x98: {  	s1 =	ssub.s32 @!p0 $0x0, s1;
	[sflag:s0] =	ssyncset.done @!p0 $0x0  }
0x99: {  	[sflag:s0] =	ssyncadd.s32 @!p0 s1  }
0x9a: {  	[bflag:$0x3] =	sbarrier.arrive $0xFFFF  }
0x9b: {  	_ =	shalt  }

</sc_bundles>
